<compile_context>
chip_gen: v7x
topology: tpu7x:2x2x1
jax: 0.10.2.dev20260603
libtpu: 0.0.44.dev20260713+nightly
codegen_flags: <defaults>
</compile_context>

<pallas_src>
import functools

import jax
import jax.numpy as jnp
from jax import lax
from jax.experimental import pallas as pl
from jax.experimental.pallas import tpu as pltpu
from jax.experimental.pallas import tpu_sc as plsc

_D = 256
_N = 18432
_NC, _NS = 2, 16
_NW = _NC * _NS
_L = 16
_BR = 2048
_STEPS = _N // _BR


def _sc_body(idx_hbm, idx_v):
    wid = lax.axis_index("s") * _NC + lax.axis_index("c")
    nw = _N // _NW
    zi = jnp.zeros((_L,), jnp.int32)

    def _zfill(r, carry):
        idx_v[pl.ds(r * _L, _L)] = zi
        return carry
    lax.fori_loop(0, nw // _L, _zfill, 0)
    pltpu.sync_copy(idx_v, idx_hbm.at[pl.ds(wid * nw, nw)])


_sc_kernel = functools.partial(
    pl.kernel,
    out_type=[jax.ShapeDtypeStruct((_N,), jnp.int32)],
    mesh=plsc.VectorSubcoreMesh(core_axis_name="c", subcore_axis_name="s",
                                num_cores=_NC, num_subcores=_NS),
    scratch_types=[pltpu.VMEM((_N // _NW,), jnp.int32)],
)(_sc_body)


def _vq_body(x_ref, w_ref, q_ref, loss_ref, perp_ref, acc_ref):
    i = pl.program_id(0)
    w0 = w_ref[0:1, :]
    x = x_ref[...]
    d = w0 - x
    q_ref[...] = jnp.broadcast_to(w0, (_BR, _D))
    part = jnp.sum(d * d)

    @pl.when(i == 0)
    def _init():
        acc_ref[0, 0] = part
        perp = jnp.exp(-(jnp.log(jnp.float32(1.0) + jnp.float32(1e-10))))
        perp_ref[...] = jnp.full((1, 1), perp, jnp.float32)

    @pl.when(i > 0)
    def _acc():
        acc_ref[0, 0] += part

    @pl.when(i == _STEPS - 1)
    def _fin():
        loss = acc_ref[0, 0] * (jnp.float32(1.25) / jnp.float32(_N * _D))
        loss_ref[...] = jnp.full((1, 1), loss, jnp.float32)


def kernel(inputs, W):
    shape = inputs.shape
    flat = inputs.reshape(-1, _D)

    (idx,) = _sc_kernel()

    q, loss, perp = pl.pallas_call(
        _vq_body,
        grid=(_STEPS,),
        in_specs=[
            pl.BlockSpec((_BR, _D), lambda i: (i, 0)),
            pl.BlockSpec((8, _D), lambda i: (0, 0)),
        ],
        out_specs=[
            pl.BlockSpec((_BR, _D), lambda i: (i, 0)),
            pl.BlockSpec((1, 1), lambda i: (0, 0)),
            pl.BlockSpec((1, 1), lambda i: (0, 0)),
        ],
        out_shape=[
            jax.ShapeDtypeStruct((_N, _D), jnp.float32),
            jax.ShapeDtypeStruct((1, 1), jnp.float32),
            jax.ShapeDtypeStruct((1, 1), jnp.float32),
        ],
        scratch_shapes=[pltpu.SMEM((1, 1), jnp.float32)],
    )(flat, W)

    return (q.reshape(shape), loss.reshape(()), perp.reshape(()),
            idx.reshape(shape[:2]))

# --- scband reference (transcript-rebuilt; emitter-appended) ---
"""Pipeline reference for scband-vector-quantizer-90640989815347 (READ-ONLY COPY).

The authoritative reference and input builder live on the scoring server;
editing this copy changes nothing except your own understanding.
"""

import jax, jax.numpy as jnp
import numpy as np

NUM_EMBEDDINGS = 8192
EMBEDDING_DIM = 256
COMMITMENT_COST = 0.25


def setup_inputs(seed: int = 0) -> dict:
    key = jax.random.key(seed)
    k1, k2 = jax.random.split(key)
    inputs = jax.random.normal(k1, (32, 576, 256), dtype=jnp.float32)
    # embedding weight initialized uniform(-1/K, 1/K) as in the torch module
    W = jax.random.uniform(k2, (NUM_EMBEDDINGS, EMBEDDING_DIM), dtype=jnp.float32,
                           minval=-1.0 / NUM_EMBEDDINGS, maxval=1.0 / NUM_EMBEDDINGS)
    return {"inputs": inputs, "W": W}


def reference(inputs, W):
    input_shape = inputs.shape
    flat_input = inputs.reshape(-1, EMBEDDING_DIM)
    # NOTE: faithful to the original torch code, where the `+` and `-2*...` lines
    # are standalone dead-code statements; distances is ONLY sum(flat**2) with
    # shape [N, 1], so argmin along dim=1 is always 0.
    distances = jnp.sum(flat_input ** 2, axis=1, keepdims=True)
    # dead code in original (no effect on distances):
    _ = jnp.sum(W ** 2, axis=1)
    _ = -2.0 * jnp.matmul(flat_input, W.T)
    encoding_indices = jnp.argmin(distances, axis=1)[:, None]
    n = encoding_indices.shape[0]
    encodings = jnp.zeros((n, NUM_EMBEDDINGS), dtype=jnp.float32)
    encodings = encodings.at[jnp.arange(n), encoding_indices[:, 0]].set(1.0)
    quantized = jnp.matmul(encodings, W).reshape(input_shape)
    e_latent_loss = jnp.mean((jax.lax.stop_gradient(quantized) - inputs) ** 2)
    q_latent_loss = jnp.mean((quantized - jax.lax.stop_gradient(inputs)) ** 2)
    loss = q_latent_loss + COMMITMENT_COST * e_latent_loss
    quantized = inputs + jax.lax.stop_gradient(quantized - inputs)
    avg_probs = jnp.mean(encodings, axis=0)
    perplexity = jnp.exp(-jnp.sum(avg_probs * jnp.log(avg_probs + 1e-10)))
    return (quantized, loss, perplexity, encoding_indices.reshape(input_shape[:-1]))

if __name__ == "__main__":
    import jax
    _d = setup_inputs()
    print(jax.jit(kernel)(*tuple(_d.values())))

</pallas_src>

<mosaic_0001>
#map = affine_map<(d0, d1) -> (0)>
module attributes {stable_mosaic.version = 14 : i64} {
  func.func @_sc_body(%arg0: i32, %arg1: i32, %arg2: memref<18432xi32, #tpu.memory_space<hbm>>, %arg3: memref<576xi32, #tpu.memory_space<vmem>>) attributes {dimension_semantics = [#tpu.dimension_semantics<core_parallel>, #tpu.dimension_semantics<subcore_parallel>], iteration_bounds = array<i64: 2, 16>, scalar_prefetch = 0 : i64, scratch_operands = 1 : i64, tpu.core_type = #tpu.core_type<sc_vector_subcore>, window_params = [{transform_indices = #map}]} {
    %mul3A = arith.constant 2 : i32
    %mul3A_0 = arith.muli %arg1, %mul3A : i32
    %add3A = arith.addi %mul3A_0, %arg0 : i32
    %broadcast_in_dim3A = arith.constant 0 : i32
    %broadcast_in_dim3A_1 = vector.broadcast %broadcast_in_dim3A : i32 to vector<16xi32>
    %scan3A = arith.constant 0 : i32
    %scan3A_2 = arith.constant 0 : i32
    %scan3A_3 = arith.constant 36 : i32
    %scan3A_4 = arith.addi %scan3A_2, %scan3A_3 : i32
    %scan3A_5 = arith.constant 1 : i32
    scf.for %scan3A_9 = %scan3A_2 to %scan3A_4 step %scan3A_5  : i32 {
      %mul3A_10 = arith.constant 16 : i32
      %mul3A_11 = arith.muli %scan3A_9, %mul3A_10 : i32
      %swap3A = arith.index_cast %mul3A_11 : i32 to index
      %swap3A_12 = tpu.vector_load %arg3[%swap3A] {strides = array<i32>} : memref<576xi32, #tpu.memory_space<vmem>>, vector<16xi32>,
      %swap3A_13 = vector.shape_cast %swap3A_12 : vector<16xi32> to vector<16xi32>
      %swap3A_14 = vector.shape_cast %broadcast_in_dim3A_1 : vector<16xi32> to vector<16xi32>
      tpu.vector_store %arg3[%swap3A], %swap3A_14 {strides = array<i32>} : memref<576xi32, #tpu.memory_space<vmem>>, vector<16xi32>,
    }
    %scan3A_6 = arith.constant 36 : i32
    %mul3A_7 = arith.constant 576 : i32
    %mul3A_8 = arith.muli %add3A, %mul3A_7 : i32
    "tpu.region"() ({
      %run_scoped3A = tpu.sem_alloc : memref<!tpu.dma_semaphore, #tpu.memory_space<semaphore_mem>>
      %dma_start3A = tpu.memref_slice %arg2[%mul3A_8] : memref<18432xi32, #tpu.memory_space<hbm>> -> memref<576xi32, #tpu.memory_space<hbm>>
      %dma_start3A_9 = tpu.memref_slice %arg2[%mul3A_8] : memref<18432xi32, #tpu.memory_space<hbm>> -> memref<576xi32, #tpu.memory_space<hbm>>
      tpu.enqueue_dma source(%arg3 : memref<576xi32, #tpu.memory_space<vmem>>) target(%dma_start3A_9 : memref<576xi32, #tpu.memory_space<hbm>>) target_semaphore(%run_scoped3A : memref<!tpu.dma_semaphore, #tpu.memory_space<semaphore_mem>>)
      %dma_wait3A = tpu.memref_slice %arg2[%mul3A_8] : memref<18432xi32, #tpu.memory_space<hbm>> -> memref<576xi32, #tpu.memory_space<hbm>>
      %dma_wait3A_10 = tpu.memref_slice %arg2[%mul3A_8] : memref<18432xi32, #tpu.memory_space<hbm>> -> memref<576xi32, #tpu.memory_space<hbm>>
      tpu.wait_dma2 semaphore(%run_scoped3A : memref<!tpu.dma_semaphore, #tpu.memory_space<semaphore_mem>>) src(%arg3 : memref<576xi32, #tpu.memory_space<vmem>>) dst(%dma_wait3A_10 : memref<576xi32, #tpu.memory_space<hbm>>)
      tpu.yield
    }) : () -> ()
    return
  }
}

module attributes {stable_mosaic.version = 14 : i64} {
  func.func @_vq_body(%arg0: i32, %arg1: memref<2048x256xf32, #tpu.memory_space<vmem>>, %arg2: memref<8x256xf32, #tpu.memory_space<vmem>>, %arg3: memref<2048x256xf32, #tpu.memory_space<vmem>>, %arg4: memref<1x1xf32, #tpu.memory_space<vmem>>, %arg5: memref<1x1xf32, #tpu.memory_space<vmem>>, %arg6: memref<1x1xf32, #tpu.memory_space<smem>>) attributes {dimension_semantics = [#tpu.dimension_semantics<arbitrary>], iteration_bounds = array<i64: 9>, scalar_prefetch = 0 : i64, scratch_operands = 1 : i64, tpu.core_type = #tpu.core_type<tc>, window_params = [{transform_indices = @transform_0, window_bounds = array<i64: 2048, 256>}, {transform_indices = @transform_1, window_bounds = array<i64: 8, 256>}, {transform_indices = @transform_2, window_bounds = array<i64: 2048, 256>}, {pipeline_mode = #tpu.pipeline_mode<synchronous>, transform_indices = @transform_3, window_bounds = array<i64: 1, 1>}, {pipeline_mode = #tpu.pipeline_mode<synchronous>, transform_indices = @transform_4, window_bounds = array<i64: 1, 1>}]} {
    %get3A = arith.constant 0 : index
    %get3A_0 = arith.constant 0 : index
    %get3A_1 = vector.load %arg2[%get3A, %get3A_0] : memref<8x256xf32, #tpu.memory_space<vmem>>, vector<1x256xf32>
    %get3A_2 = arith.constant 0 : index
    %get3A_3 = arith.constant 0 : index
    %get3A_4 = vector.load %arg1[%get3A_2, %get3A_3] : memref<2048x256xf32, #tpu.memory_space<vmem>>, vector<2048x256xf32>
    %sub3A = vector.broadcast %get3A_1 : vector<1x256xf32> to vector<2048x256xf32>
    %sub3A_5 = arith.subf %sub3A, %get3A_4 : vector<2048x256xf32>
    %broadcast_in_dim3A = vector.shape_cast %get3A_1 : vector<1x256xf32> to vector<1x256xf32>
    %broadcast_in_dim3A_6 = vector.broadcast %broadcast_in_dim3A : vector<1x256xf32> to vector<2048x256xf32>
    %swap3A = arith.constant 0 : index
    %swap3A_7 = arith.constant 0 : index
    %swap3A_8 = vector.load %arg3[%swap3A, %swap3A_7] : memref<2048x256xf32, #tpu.memory_space<vmem>>, vector<2048x256xf32>
    tpu.vector_store %arg3[%swap3A, %swap3A_7], %broadcast_in_dim3A_6 {strides = array<i32>} : memref<2048x256xf32, #tpu.memory_space<vmem>>, vector<2048x256xf32>,
    %mul3A = arith.mulf %sub3A_5, %sub3A_5 : vector<2048x256xf32>
    %reduce_sum3A = vector.shape_cast %mul3A : vector<2048x256xf32> to vector<1x2048x256xf32>
    %reduce_sum3A_9 = arith.constant dense<0.000000e+00> : vector<1xf32>
    %reduce_sum3A_10 = vector.multi_reduction <add>, %reduce_sum3A, %reduce_sum3A_9 [1, 2] : vector<1x2048x256xf32> to vector<1xf32>
    %reduce_sum3A_11 = vector.shape_cast %reduce_sum3A_10 : vector<1xf32> to vector<1x1x1xf32>
    %reduce_sum3A_12 = vector.extract %reduce_sum3A_11[0, 0, 0] : f32 from vector<1x1x1xf32>
    %eq3A = arith.constant 0 : i32
    %eq3A_13 = arith.cmpi eq, %arg0, %eq3A : i32
    %convert_element_type3A = arith.extui %eq3A_13 : i1 to i32
    %cond3A = arith.constant 0 : i32
    %cond3A_14 = arith.cmpi ne, %convert_element_type3A, %cond3A : i32
    scf.if %cond3A_14 {
      %swap3A_24 = arith.constant 0 : index
      %swap3A_25 = arith.constant 0 : index
      %swap3A_26 = memref.load %arg6[%swap3A_24, %swap3A_25] : memref<1x1xf32, #tpu.memory_space<smem>>
      memref.store %reduce_sum3A_12, %arg6[%swap3A_24, %swap3A_25] : memref<1x1xf32, #tpu.memory_space<smem>>
      %add3A = arith.constant 1.000000e+00 : f32
      %add3A_27 = arith.constant 1.000000e-10 : f32
      %add3A_28 = arith.addf %add3A, %add3A_27 : f32
      %log3A = math.log %add3A_28 : f32
      %neg3A = arith.constant 0.000000e+00 : f32
      %neg3A_29 = arith.subf %neg3A, %log3A : f32
      %exp3A = math.exp %neg3A_29 : f32
      %broadcast_in_dim3A_30 = vector.broadcast %exp3A : f32 to vector<1x1xf32>
      %swap3A_31 = arith.constant 0 : index
      %swap3A_32 = arith.constant 0 : index
      %swap3A_33 = vector.load %arg5[%swap3A_31, %swap3A_32] : memref<1x1xf32, #tpu.memory_space<vmem>>, vector<1x1xf32>
      tpu.vector_store %arg5[%swap3A_31, %swap3A_32], %broadcast_in_dim3A_30 {strides = array<i32>} : memref<1x1xf32, #tpu.memory_space<vmem>>, vector<1x1xf32>,
    } else {
    }
    %gt3A = arith.constant 0 : i32
    %gt3A_15 = arith.cmpi sgt, %arg0, %gt3A : i32
    %convert_element_type3A_16 = arith.extui %gt3A_15 : i1 to i32
    %cond3A_17 = arith.constant 0 : i32
    %cond3A_18 = arith.cmpi ne, %convert_element_type3A_16, %cond3A_17 : i32
    scf.if %cond3A_18 {
      %get3A_24 = arith.constant 0 : index
      %get3A_25 = arith.constant 0 : index
      %get3A_26 = memref.load %arg6[%get3A_24, %get3A_25] : memref<1x1xf32, #tpu.memory_space<smem>>
      %add3A = arith.addf %get3A_26, %reduce_sum3A_12 : f32
      %swap3A_27 = arith.constant 0 : index
      %swap3A_28 = arith.constant 0 : index
      %swap3A_29 = memref.load %arg6[%swap3A_27, %swap3A_28] : memref<1x1xf32, #tpu.memory_space<smem>>
      memref.store %add3A, %arg6[%swap3A_27, %swap3A_28] : memref<1x1xf32, #tpu.memory_space<smem>>
    } else {
    }
    %eq3A_19 = arith.constant 8 : i32
    %eq3A_20 = arith.cmpi eq, %arg0, %eq3A_19 : i32
    %convert_element_type3A_21 = arith.extui %eq3A_20 : i1 to i32
    %cond3A_22 = arith.constant 0 : i32
    %cond3A_23 = arith.cmpi ne, %convert_element_type3A_21, %cond3A_22 : i32
    scf.if %cond3A_23 {
      %get3A_24 = arith.constant 0 : index
      %get3A_25 = arith.constant 0 : index
      %get3A_26 = memref.load %arg6[%get3A_24, %get3A_25] : memref<1x1xf32, #tpu.memory_space<smem>>
      %div3A = arith.constant 1.250000e+00 : f32
      %div3A_27 = arith.constant 0x4A900000 : f32
      %div3A_28 = arith.divf %div3A, %div3A_27 : f32
      %mul3A_29 = arith.mulf %get3A_26, %div3A_28 : f32
      %broadcast_in_dim3A_30 = vector.broadcast %mul3A_29 : f32 to vector<1x1xf32>
      %swap3A_31 = arith.constant 0 : index
      %swap3A_32 = arith.constant 0 : index
      %swap3A_33 = vector.load %arg4[%swap3A_31, %swap3A_32] : memref<1x1xf32, #tpu.memory_space<vmem>>, vector<1x1xf32>
      tpu.vector_store %arg4[%swap3A_31, %swap3A_32], %broadcast_in_dim3A_30 {strides = array<i32>} : memref<1x1xf32, #tpu.memory_space<vmem>>, vector<1x1xf32>,
    } else {
    }
    return
  }
  func.func @transform_0(%arg0: i32) -> (i32, i32) {
    %c0_i32 = arith.constant 0 : i32
    %c0_i32_0 = arith.constant 0 : i32
    return %arg0, %c0_i32 : i32, i32
  }
  func.func @transform_1(%arg0: i32) -> (i32, i32) {
    %c0_i32 = arith.constant 0 : i32
    %c0_i32_0 = arith.constant 0 : i32
    %c0_i32_1 = arith.constant 0 : i32
    return %c0_i32, %c0_i32_0 : i32, i32
  }
  func.func @transform_2(%arg0: i32) -> (i32, i32) {
    %c0_i32 = arith.constant 0 : i32
    %c0_i32_0 = arith.constant 0 : i32
    return %arg0, %c0_i32 : i32, i32
  }
  func.func @transform_3(%arg0: i32) -> (i32, i32) {
    %c0_i32 = arith.constant 0 : i32
    %c0_i32_0 = arith.constant 0 : i32
    %c0_i32_1 = arith.constant 0 : i32
    return %c0_i32, %c0_i32_0 : i32, i32
  }
  func.func @transform_4(%arg0: i32) -> (i32, i32) {
    %c0_i32 = arith.constant 0 : i32
    %c0_i32_0 = arith.constant 0 : i32
    %c0_i32_1 = arith.constant 0 : i32
    return %c0_i32, %c0_i32_0 : i32, i32
  }
}

</mosaic_0001>

<sc_bundles>
// kernel: kernel.4.cloned.1.call-start
scs
__scs_entry_jumppad:
0x0: {  	(pc) =	sbr.rel $0x88, $3  }
0x1: {  	(tag) =	ssettag $0x0;
	lr =	simm.s32 $0x1  }
0x2: {  	[smem:$0x3F9F] =	sst lr;
	_ =	strace $0xD0000000  }
0x3: {  	_ = 	snop  }
0x4: {  	_ = 	snop  }
0x5: {  	_ = 	snop  }
0x6: {  	_ = 	snop  }
0x7: {  	_ = 	snop  }
__scs_overlays_trampoline_lowered:
0x8: {  	[smem:$0x3FAE] =	sst s0  }
0x9: {  	[smem:$0x3FAF] =	sst s1  }
0xa: {  	[smem:$0x3FB0] =	sst s2  }
0xb: {  	[smem:$0x3FB1] =	sst s3  }
0xc: {  	[smem:$0x3FB2] =	sst s4  }
0xd: {  	[smem:$0x3FB3] =	sst s5  }
0xe: {  	[smem:$0x3FB4] =	sst s6  }
0xf: {  	[smem:$0x3FB5] =	sst s7  }
0x10: {  	[smem:$0x3FB6] =	sst s8  }
0x11: {  	[smem:$0x3FB7] =	sst s9;
	s0 =	simm.s32 @!p0 $0x0  }
0x12: {  	s1 =	sld [smem:$0x3F9D];
	s0 =	simm.s32 @p0 $0x1  }
0x13: {  	[smem:$0x3FB8] =	sst s0;
	s0 =	simm.s32 @!p1 $0x0  }
0x14: {  	s2 =	sld [smem:$0x3F9C];
	s0 =	simm.s32 @p1 $0x1  }
0x15: {  	[smem:$0x3FB9] =	sst s0;
	s0 =	simm.s32 @!p2 $0x0  }
0x16: {  	s3 =	sld [smem:$0x3FDB];
	s0 =	simm.s32 @p2 $0x1  }
0x17: {  	s4 =	simm.s32 $0x1BF5;
	[smem:$0x3FBB] =	sst s0  }
0x18: {  	s0 =	sld [smem:$0x3F9E];
	_ =	swait.ge [sflag:s4], $0x0  }
0x19: {  	s7 =	sld [smem:$0x3F9F]  }
0x1a: {  	s8 =	sadd.s32 $0xFFFFE003, lr  }
0x1b: {  	s9 =	sadd.s32 $0xFFFFFEF7, lr;
	s5 =	simm.s32 $0xFFFFFFFF;
	p2 =	slt.u32 s8, $0xFFFFF086  }
0x1c: {  	p1 =	slt.u32 s9, $0xF7A;
	s5 =	simm.s32 @!p2 $0x0  }
0x1d: {  	s5 =	simm.s32 @p1 $0x1;
	p0 =	seq.s32 s7, s2  }
0x1e: {  	s7 =	smul.u32 @!p0 $0xF7A, s2;
	p2 =	seq.s32 @!p0 s5, $0x0  }
0x1f: {  	s9 =	smul.u32 $0xF7A, s1;
	s8 =	simm.s32 @!p0 $0x1BF5;
	p2 =	por !p2, p0  }
0x20: {  	[sflag:s8] =	ssyncset.s32 @!p0 $0xFFFFF086;
	s6 =	sadd.s32 @!p0 s3, s7;
	s7 =	simm.s32 @!p0 $0x108  }
0x21: {  	s3 =	sadd.s32 s3, s9;
	s6 =	sadd.s32 @!p0 $0x88, s6;
	s7 =	simm.s32 @p2 $0x1082  }
0x22: {  	[simem:s7], [sflag:s8] =	dma.local @!p0 [hbm:s6], $0xF7A  }
0x23: {  	s9 =	sor.u32 $0xD0000000, s2;
	s6 =	simm.s32 $0x108;
	_ =	swait.ge @!p0 [sflag:s8], $0x0  }
0x24: {  	s3 =	sadd.s32 $0x88, s3;
	s6 =	simm.s32 @!p1 $0x1082;
	[sflag:s4] =	ssyncset.s32 $0xFFFFF086  }
0x25: {  	[simem:s6], [sflag:s4] =	dma.local [hbm:s3], $0xF7A  }
0x26: {  	[smem:$0x3F9F] =	sst s1;
	(tag) =	ssettag s2;
	_ =	strace s9  }
0x27: {  	s1 =	sld [smem:$0x3FAF]  }
0x28: {  	s2 =	sld [smem:$0x3FB0]  }
0x29: {  	s4 =	sld [smem:$0x3FB2]  }
0x2a: {  	p0 =	seq.s32 s5, $0x0;
	s5 =	sld [smem:$0x3FB3]  }
0x2b: {  	s6 =	sld [smem:$0x3FB4]  }
0x2c: {  	s7 =	sld [smem:$0x3FB5]  }
0x2d: {  	s3 =	simm.s32 $0x108;
	s8 =	sld [smem:$0x3FB6]  }
0x2e: {  	s3 =	simm.s32 @!p0 $0x1082;
	s9 =	sld [smem:$0x3FB7]  }
0x2f: {  	lr =	sadd.s32 s0, s3;
	s0 =	sld [smem:$0x3FAE]  }
0x30: {  	s3 =	sld [smem:$0x3FB1]  }
0x31: {  	[smem:$0x3FBA] =	sst s10  }
0x32: {  	s10 =	sld [smem:$0x3FB8];
	_ =	sdelay $0x3  }
0x33: {  	p0 =	seq.s32 s10, $0x1;
	s10 =	sld [smem:$0x3FBA];
	_ =	sdelay $0x3  }
0x34: {  	[smem:$0x3FBA] =	sst s10  }
0x35: {  	s10 =	sld [smem:$0x3FB9];
	_ =	sdelay $0x3  }
0x36: {  	p1 =	seq.s32 s10, $0x1;
	s10 =	sld [smem:$0x3FBA];
	_ =	sdelay $0x3  }
0x37: {  	[smem:$0x3FBA] =	sst s10  }
0x38: {  	s10 =	sld [smem:$0x3FBB]  }
0x39: {  	_ = 	snop;
	(pc) =	sbr.ind lr, $3  }
0x3a: {  	_ = 	snop  }
0x3b: {  	_ = 	snop  }
0x3c: {  	p2 =	seq.s32 s10, $0x1;
	s10 =	sld [smem:$0x3FBA]  }
0x3d: {  	_ =	shalt  }
0x3e: {  	_ =	shalt  }
0x3f: {  	_ =	shalt  }
0x40: {  	_ =	shalt  }
0x41: {  	_ =	shalt  }
0x42: {  	_ =	shalt  }
0x43: {  	_ =	shalt  }
0x44: {  	_ =	shalt  }
0x45: {  	_ =	shalt  }
0x46: {  	_ =	shalt  }
0x47: {  	_ =	shalt  }
0x48: {  	_ =	shalt  }
0x49: {  	_ =	shalt  }
0x4a: {  	_ =	shalt  }
0x4b: {  	_ =	shalt  }
0x4c: {  	_ =	shalt  }
0x4d: {  	_ =	shalt  }
0x4e: {  	_ =	shalt  }
0x4f: {  	_ =	shalt  }
0x50: {  	_ =	shalt  }
0x51: {  	_ =	shalt  }
0x52: {  	_ =	shalt  }
0x53: {  	_ =	shalt  }
0x54: {  	_ =	shalt  }
0x55: {  	_ =	shalt  }
0x56: {  	_ =	shalt  }
0x57: {  	_ =	shalt  }
0x58: {  	_ =	shalt  }
0x59: {  	_ =	shalt  }
0x5a: {  	_ =	shalt  }
0x5b: {  	_ =	shalt  }
0x5c: {  	_ =	shalt  }
0x5d: {  	_ =	shalt  }
0x5e: {  	_ =	shalt  }
0x5f: {  	_ =	shalt  }
0x60: {  	_ =	shalt  }
0x61: {  	_ =	shalt  }
0x62: {  	_ =	shalt  }
0x63: {  	_ =	shalt  }
0x64: {  	_ =	shalt  }
0x65: {  	_ =	shalt  }
0x66: {  	_ =	shalt  }
0x67: {  	_ =	shalt  }
0x68: {  	_ =	shalt  }
0x69: {  	_ =	shalt  }
0x6a: {  	_ =	shalt  }
0x6b: {  	_ =	shalt  }
0x6c: {  	_ =	shalt  }
0x6d: {  	_ =	shalt  }
0x6e: {  	_ =	shalt  }
0x6f: {  	_ =	shalt  }
0x70: {  	_ =	shalt  }
0x71: {  	_ =	shalt  }
0x72: {  	_ =	shalt  }
0x73: {  	_ =	shalt  }
0x74: {  	_ =	shalt  }
0x75: {  	_ =	shalt  }
0x76: {  	_ =	shalt  }
0x77: {  	_ =	shalt  }
0x78: {  	_ =	shalt  }
0x79: {  	_ =	shalt  }
0x7a: {  	_ =	shalt  }
0x7b: {  	_ =	shalt  }
0x7c: {  	_ =	shalt  }
0x7d: {  	_ =	shalt  }
0x7e: {  	_ =	shalt  }
0x7f: {  	_ =	shalt  }
0x80: {  	_ =	shalt  }
0x81: {  	_ =	shalt  }
0x82: {  	_ =	shalt  }
0x83: {  	_ =	shalt  }
0x84: {  	_ =	shalt  }
0x85: {  	_ =	shalt  }
0x86: {  	_ =	shalt  }
0x87: {  	_ =	shalt  }
.Lfunc_end0:
.L_simem_size_0:
called_computation_lowered:
.L_overlay_start_0:
0x88: {  	s2 =	sld [smem:$0x3FD9]  }
0x89: {  	s3 =	sld [smem:$0x3FFE];
	_ =	sdelay $0x1  }
0x8a: {  	s1 =	srdreg.scid  }
0x8b: {  	s0 =	sand.u32 $0x1, s1  }
0x8c: {  	s16 =	sshll.u32 s0, $0xA;
	s2 =	sadd.s32 s3, s2  }
0x8d: {  	s2 =	sadd.s32 s2, s16  }
0x8e: {  	[smem:$0x3FC6] =	sst s2  }
0x8f: {  	_ = 	snop  }
0x90: {  	(tm) =	ssettm $0x1  }
0x91: {  	s17 =	sld [smem:$0x3FFB];
	_ =	sdelay $0x3  }
0x92: {  	_ =	strace s17  }
0x93: {  	s2 =	sld [smem:$0x3FFC];
	_ =	sdelay $0x3  }
0x94: {  	_ =	strace s2  }
0x95: {  	s2 =	sld [smem:$0x3FFD];
	_ =	sdelay $0x3  }
0x96: {  	_ =	strace s2  }
0x97: {  	_ =	strace $0x8FFFFFFF  }
0x98: {  	s18 =	sld [smem:$0x3FDB];
	_ =	sdelay $0x1  }
0x99: {  	s19 =	simm.s32 $_scs_section_size  }
0x9a: {  	s4 =	simm.s32 $_size__tile_overlayer_lowered;
	s5 =	simm.s32 $_tile_overlayer_lowered  }
0x9b: {  	s22 =	simm.s32 $0x1BFF;
	s21 =	sshll.u32 s5, $0x1;
	s2 =	sadd.s32 s19, s18  }
0x9c: {  	s6 =	simm.s32 $0x0;
	s20 =	sshll.u32 s4, $0x1;
	s4 =	sadd.s32 s21, s2  }
0x9d: {  	[timem:s6], [sflag:s22] =	dma.local [hbm:s4], s20  }
0x9e: {  	_ =	swait.ge [sflag:s22], s20  }
0x9f: {  	s3 =	ssub.s32 $0x0, s20;
	[sflag:s22] =	ssyncset.done $0x0  }
0xa0: {  	[sflag:s22] =	ssyncadd.s32 s3;
	_ =	sdelay $0x1  }
0xa1: {  	s23 =	simm.s32 $0x1B8B  }
0xa2: {  	_ =	swait.ge [sflag:s23], $0x1  }
0xa3: {  	[sflag:s23] =	ssyncset.done $0x0  }
0xa4: {  	s25 =	simm.s32 $0x1B8E;
	s24 =	sld [smem:$0x3FFE];
	[sflag:s23] =	ssyncadd.s32 $0xFFFFFFFF  }
0xa5: {  	s26 =	simm.s32 $execute0_lowered;
	[smem:$0x3FD2] =	sst s25  }
0xa6: {  	s4 =	sshll.u32 s26, $0x1;
	_ =	strace $0x80000046;
	[dreg:$0x1] =	wrdreg $0xFFFFFFFF  }
0xa7: {  	s28 =	simm.s32 $_size_execute0_lowered;
	s2 =	sadd.s32 s2, s4;
	[dreg:$0x0] =	wrdreg $0x0  }
0xa8: {  	s4 =	sshll.u32 s28, $0x1;
	[dreg:$0x2] =	wrdreg s2  }
0xa9: {  	[dreg:$0x3] =	wrdreg s4  }
0xaa: {  	[dreg:$0x4] =	wrdreg $0xC0  }
0xab: {  	_ =	task [dreg:s6], $0x5FFFF  }
0xac: {  	[dreg:$0x1] =	wrdreg $0xFFFFFFFF  }
0xad: {  	[dreg:$0x0] =	wrdreg $0x60  }
0xae: {  	[dreg:$0x2] =	wrdreg s24  }
0xaf: {  	[dreg:$0x3] =	wrdreg $0x9  }
0xb0: {  	_ =	task.clear_ibuf [dreg:s6], $0x4FFFF;
	_ =	strace $0x90000046  }
0xb1: {  	s29 =	simm.s32 $0x9;
	_ =	strace $0x80000048  }
0xb2: {  	_ =	swait.ge [sflag:s29], $0x1  }
0xb3: {  	[sflag:s29] =	ssyncadd.s32 $0xFFFFFFFF  }
0xb4: {  	_ =	strace $0x90000048  }
0xb5: {  	_ =	sfence  }
0xb6: {  	s30 =	sld [smem:$0x0];
	_ =	sdelay $0x2  }
0xb7: {  	s31 =	sshll.u32 s1, $0xD;
	s1 =	sshrl.u32 s1, $0x2  }
0xb8: {  	s3 =	sand.u32 $0x4000, s31;
	s1 =	sadd.s32 s1, s30  }
0xb9: {  	s0 =	sor.u32 s3, s0;
	s1 =	sshll.u32 s1, $0x11  }
0xba: {  	s0 =	sor.u32 s1, s0  }
0xbb: {  	s0 =	sadd.s32 $0x8F2B, s0  }
0xbc: {  	[sflag:s0] =	ssyncadd.remote.s32 $0x1  }
0xbd: {  	_ =	sfence.sel $0xFFFF  }
0xbe: {  	[dreg:$0x0] =	wrdreg $0xFFFFFFFF;
	(pc) =	sbr.abs _section_cstart, $3  }
0xbf: {  	[dreg:$0x1] =	wrdreg $0xFFFFFFFF  }
0xc0: {  	_ =	task.clear_ibuf [dreg:s6], $0x2FFFF;
	_ =	strace $0x9FFFFFFF  }
0xc1: {  	(tm) =	ssettm $0x7FFFFFFF  }
tec
execute0_lowered:
.L_overlay_start_1:
0x0: {  	(tag) =	ssettag $0x1  }
0x1: {  	s3 =	rddreg [dreg:$0x0];
	s1 =	simm.s32 $0x0  }
0x2: {  	v0 =	vimm.s32 $0x0;
	[smem:$0x7FF] =	sst s1  }
0x3: {  	s0 =	rddreg [dreg:$0x1];
	_ =	strace $0x80000047;
	[tilespmem:$0x0] =	vst v0  }
0x4: {  	[tilespmem:$0x230] =	vst v0  }
0x5: {  	[tilespmem:$0x220] =	vst v0  }
0x6: {  	[tilespmem:$0x210] =	vst v0  }
0x7: {  	[tilespmem:$0x200] =	vst v0  }
0x8: {  	[tilespmem:$0x1F0] =	vst v0  }
0x9: {  	[tilespmem:$0x1E0] =	vst v0  }
0xa: {  	[tilespmem:$0x1D0] =	vst v0  }
0xb: {  	[tilespmem:$0x1C0] =	vst v0  }
0xc: {  	[tilespmem:$0x1B0] =	vst v0  }
0xd: {  	[tilespmem:$0x1A0] =	vst v0  }
0xe: {  	[tilespmem:$0x190] =	vst v0  }
0xf: {  	[tilespmem:$0x180] =	vst v0  }
0x10: {  	[tilespmem:$0x170] =	vst v0  }
0x11: {  	[tilespmem:$0x160] =	vst v0  }
0x12: {  	[tilespmem:$0x150] =	vst v0  }
0x13: {  	[tilespmem:$0x140] =	vst v0  }
0x14: {  	[tilespmem:$0x130] =	vst v0  }
0x15: {  	[tilespmem:$0x120] =	vst v0  }
0x16: {  	[tilespmem:$0x110] =	vst v0  }
0x17: {  	[tilespmem:$0x100] =	vst v0  }
0x18: {  	[tilespmem:$0xF0] =	vst v0  }
0x19: {  	[tilespmem:$0xE0] =	vst v0  }
0x1a: {  	[tilespmem:$0xD0] =	vst v0  }
0x1b: {  	[tilespmem:$0xC0] =	vst v0  }
0x1c: {  	[tilespmem:$0xB0] =	vst v0  }
0x1d: {  	s4 =	srdreg.scid;
	s2 =	stileid.u32;
	[tilespmem:$0xA0] =	vst v0  }
0x1e: {  	s4 =	sand.u32 $0x1, s4;
	s5 =	sshll.u32 s2, $0x1;
	[tilespmem:$0x90] =	vst v0  }
0x1f: {  	[tilespmem:$0x80] =	vst v0;
	s5 =	sor.u32 s4, s5;
	s4 =	ssub.s32 $0x2, s4  }
0x20: {  	[tilespmem:$0x70] =	vst v0;
	s6 =	sshrl.u32 s4, $0x1  }
0x21: {  	[tilespmem:$0x60] =	vst v0;
	s4 =	ssub.s32 s4, s6  }
0x22: {  	[tilespmem:$0x50] =	vst v0;
	s31 =	smax.u32 s4, $0x1  }
0x23: {  	[tilespmem:$0x40] =	vst v0;
	s5 =	smul.u32 $0x48, s5;
	p0 =	sne.s32 s31, $0x1  }
.Ltmp0:
0x24: {  	[tilespmem:$0x30] =	vst v0;
	(pc) =	sbr.rel @!p0 .LBB2_2-.Ltmp0, $4  }
0x25: {  	[tilespmem:$0x20] =	vst v0;
	s3 =	sadd.s32 s5, s3  }
0x26: {  	[tilespmem:$0x10] =	vst v0;
	s4 =	simm.s32 $0x1;
	s3 =	sadd.s32 $0x800, s3  }
0x27: {  	[hbm4b:s3+s1] =	stream.linear.scatter [tilespmem:s1], [sflag:$0x1], $0x240, $0x38;
	[tilespmem:$0x280] =	vst v63  }
0x28: {  	s5 =	sadd.s32 $0xFFFFFFFF, s31;
	_ =	swait.ge [sflag:s4], $0x240  }
.LBB2_1:
0x29: {  	p0 =	sne.s32 s5, $0x1;
	[sflag:s4] =	ssyncset.done $0x0  }
0x2a: {  	[sflag:s4] =	ssyncadd.s32 $0xFFFFFDC0  }
0x2b: {  	[tilespmem:$0x0] =	vst v0  }
0x2c: {  	[tilespmem:$0x230] =	vst v0  }
0x2d: {  	[tilespmem:$0x220] =	vst v0  }
0x2e: {  	[tilespmem:$0x210] =	vst v0  }
0x2f: {  	[tilespmem:$0x200] =	vst v0  }
0x30: {  	[tilespmem:$0x1F0] =	vst v0  }
0x31: {  	[tilespmem:$0x1E0] =	vst v0  }
0x32: {  	[tilespmem:$0x1D0] =	vst v0  }
0x33: {  	[tilespmem:$0x1C0] =	vst v0  }
0x34: {  	[tilespmem:$0x1B0] =	vst v0  }
0x35: {  	[tilespmem:$0x1A0] =	vst v0  }
0x36: {  	[tilespmem:$0x190] =	vst v0  }
0x37: {  	[tilespmem:$0x180] =	vst v0  }
0x38: {  	[tilespmem:$0x170] =	vst v0  }
0x39: {  	[tilespmem:$0x160] =	vst v0  }
0x3a: {  	[tilespmem:$0x150] =	vst v0  }
0x3b: {  	[tilespmem:$0x140] =	vst v0  }
0x3c: {  	[tilespmem:$0x130] =	vst v0  }
0x3d: {  	[tilespmem:$0x120] =	vst v0  }
0x3e: {  	[tilespmem:$0x110] =	vst v0  }
0x3f: {  	[tilespmem:$0x100] =	vst v0  }
0x40: {  	[tilespmem:$0xF0] =	vst v0  }
0x41: {  	[tilespmem:$0xE0] =	vst v0  }
0x42: {  	[tilespmem:$0xD0] =	vst v0  }
0x43: {  	[tilespmem:$0xC0] =	vst v0  }
0x44: {  	[tilespmem:$0xB0] =	vst v0  }
0x45: {  	[tilespmem:$0xA0] =	vst v0  }
0x46: {  	[tilespmem:$0x90] =	vst v0  }
0x47: {  	[tilespmem:$0x80] =	vst v0  }
0x48: {  	[tilespmem:$0x70] =	vst v0  }
0x49: {  	[tilespmem:$0x60] =	vst v0  }
0x4a: {  	[tilespmem:$0x50] =	vst v0  }
.Ltmp1:
0x4b: {  	[tilespmem:$0x40] =	vst v0;
	(pc) =	sbr.rel @p0 .LBB2_1-.Ltmp1, $4  }
0x4c: {  	[tilespmem:$0x30] =	vst v0  }
0x4d: {  	[tilespmem:$0x20] =	vst v0  }
0x4e: {  	[tilespmem:$0x10] =	vst v0;
	[hbm4b:s3+s1] =	stream.linear.scatter [tilespmem:s1], [sflag:$0x1], $0x240, $0x38  }
0x4f: {  	s5 =	sadd.s32 $0xFFFFFFFF, s5;
	_ =	swait.ge [sflag:s4], $0x240  }
.LBB2_2:
0x50: {  	[sflag:s4] =	ssyncset.done $0x0  }
0x51: {  	[sflag:s4] =	ssyncadd.s32 $0xFFFFFDC0  }
0x52: {  	_ =	sfence.sel $0x180000  }
0x53: {  	[bflag:$0x0] =	sbarrier.arrive $0xFFFF  }
0x54: {  	p0 =	sne.s32 s2, $0x0;
	_ =	strace $0x90000047  }
0x55: {  	s0 =	sadd.s32 @!p0 $0x100000, s0;
	[bflag:$0x2] =	sbarrier.arrive $0xFFFF  }
0x56: {  	[sflag:s0] =	ssyncadd.tile.s32 @!p0 $0x1;
	_ =	shalt  }
.Lfunc_end2:
_tile_overlayer_lowered:
.L_overlay_start_2:
0x57: {  	(tag) =	ssettag $0x2  }
0x58: {  	s0 =	rddreg [dreg:$0x0];
	s2 =	stileid.u32  }
0x59: {  	s1 =	rddreg [dreg:$0x1];
	p0 =	sne.s32 s2, $0x0  }
0x5a: {  	s3 =	rddreg [dreg:$0x2];
	[bflag:$0x3] =	sbarrier.arrive $0xFFFF;
	s2 =	simm.s32 @!p0 $0x1C01  }
0x5b: {  	[timem:s3], [sflag:s2] =	dma.local @!p0 [hbm:s0], s1  }
0x5c: {  	s0 =	simm.s32 @!p0 $0x1  }
0x5d: {  	_ =	swait.ge @!p0 [sflag:s0], s1  }
0x5e: {  	s1 =	ssub.s32 @!p0 $0x0, s1;
	[sflag:s0] =	ssyncset.done @!p0 $0x0  }
0x5f: {  	[sflag:s0] =	ssyncadd.s32 @!p0 s1  }
0x60: {  	[bflag:$0x3] =	sbarrier.arrive $0xFFFF  }
0x61: {  	_ =	shalt  }

</sc_bundles>
